<compile_context>
chip_gen: v7x
topology: tpu7x:2x2x1
jax: 0.10.2.dev20260603
libtpu: 0.0.44.dev20260713+nightly
codegen_flags: <defaults>
</compile_context>

<pallas_src>
import functools

import jax
import jax.numpy as jnp
from jax import lax
from jax.experimental import pallas as pl
from jax.experimental.pallas import tpu as pltpu
from jax.experimental.pallas import tpu_sc as plsc


def _argmin_body(data_ref, mask_ref, centers_ref, out_ref):
    d = data_ref[...]
    m = mask_ref[...]
    c = centers_ref[...]
    dn = (((1,), (1,)), ((), ()))
    s1 = lax.dot_general(m * d, c, dn,
                         preferred_element_type=jnp.float32,
                         precision=lax.Precision.HIGHEST)
    s2 = lax.dot_general(m, c * c, dn,
                         preferred_element_type=jnp.float32,
                         precision=lax.Precision.HIGHEST)
    scores = s2 - 2.0 * s1
    minv = jnp.min(scores, axis=1, keepdims=True)
    nk = scores.shape[1]
    iota = lax.broadcasted_iota(jnp.int32, scores.shape, 1)
    cand = jnp.where(scores == minv, iota, nk)
    out_ref[...] = jnp.min(cand, axis=1, keepdims=True)


def _nearest_center(data, mask, centers):
    b = data.shape[0]
    return pl.pallas_call(
        _argmin_body,
        out_shape=jax.ShapeDtypeStruct((b, 1), jnp.int32),
    )(data, mask, centers)


def _make_gather(b, d, b_per_w):
    info = plsc.get_sparse_core_info()
    nc = info.num_cores

    mesh = plsc.VectorSubcoreMesh(core_axis_name="c", subcore_axis_name="s")

    @functools.partial(
        pl.kernel,
        mesh=mesh,
        out_type=jax.ShapeDtypeStruct((b, d), jnp.float32),
        scratch_types=[
            pltpu.VMEM((b_per_w,), jnp.int32),
            pltpu.VMEM((b_per_w,), jnp.int32),
            pltpu.VMEM((b_per_w, d), jnp.float32),
            pltpu.SemaphoreType.DMA,
        ],
    )
    def gather(idx_hbm, ipc_hbm, table_hbm, out_hbm, idx_v, sel_v, rows_v, sem):
        wid = lax.axis_index("s") * nc + lax.axis_index("c")
        base = wid * b_per_w
        pltpu.sync_copy(idx_hbm.at[pl.ds(base, b_per_w)], idx_v)
        pltpu.async_copy(ipc_hbm.at[idx_v], sel_v, sem).wait()
        pltpu.async_copy(table_hbm.at[sel_v], rows_v, sem).wait()
        pltpu.sync_copy(rows_v, out_hbm.at[pl.ds(base, b_per_w)])

    return gather


def kernel(data, mask, centers, data_to_impute, index_per_cluster):
    b, d = data.shape
    idx = _nearest_center(data, mask, centers).reshape(b)
    info = plsc.get_sparse_core_info()
    nw = info.num_cores * info.num_subcores
    gather = _make_gather(b, d, b // nw)
    return gather(idx, index_per_cluster.astype(jnp.int32), data_to_impute)

# --- scband reference (transcript-rebuilt; emitter-appended) ---
"""Pipeline reference for scband-kmeans-dataset-imputation-1700807049556 (READ-ONLY COPY).

The authoritative reference and input builder live on the scoring server;
editing this copy changes nothing except your own understanding.
"""

import jax, jax.numpy as jnp
import numpy as np

B = 1024
D = 128
K = 512
M = 50000


def setup_inputs(seed: int = 0) -> dict:
    key = jax.random.key(seed)
    k1, k2, k3, k4, k5 = jax.random.split(key, 5)
    data = jax.random.normal(k1, (B, D), dtype=jnp.float32)
    mask = jax.random.uniform(k2, (B, D), dtype=jnp.float32)
    centers = jax.random.normal(k3, (K, D), dtype=jnp.float32)
    data_to_impute = jax.random.normal(k4, (M, D), dtype=jnp.float32)
    index_per_cluster = jax.random.randint(k5, (M,), 0, M, dtype=jnp.int64) if jax.config.jax_enable_x64 else jax.random.randint(k5, (M,), 0, M).astype(jnp.int32)
    return {"data": data, "mask": mask, "centers": centers, "data_to_impute": data_to_impute, "index_per_cluster": index_per_cluster}


def reference(data, mask, centers, data_to_impute, index_per_cluster):
    batch_size = data.shape[0]
    other_dim = data.shape[1:]
    d_flat = int(np.prod(other_dim))
    nb_centers = centers.shape[0]
    # expand data/mask against every center and compute masked squared distance
    data_expanded = data.reshape(batch_size, 1, d_flat)
    mask_expanded = mask.reshape(batch_size, 1, d_flat)
    centers_e = centers.reshape(1, nb_centers, d_flat)
    distance = (data_expanded - centers_e) ** 2
    distance = jnp.sum(distance * mask_expanded, axis=2)
    index_min = jnp.argmin(distance, axis=1)
    # map winning cluster to a dataset row via index_per_cluster (gather)
    impute_data_to_be_selected = index_per_cluster[index_min]
    len_data = data_to_impute.shape[0]
    probs = jnp.zeros((batch_size, len_data), dtype=jnp.float32)
    probs = probs.at[jnp.arange(batch_size), impute_data_to_be_selected].set(1.0)
    probs = probs / (jnp.sum(probs, axis=1, keepdims=True) + 1e-08)
    # Multinomial(total_count=1) sample then argmax == categorical draw over probs
    skey = jax.random.key(42)
    index_resampling = jax.random.categorical(skey, jnp.log(probs + 1e-20), axis=-1)
    sampled = data_to_impute[index_resampling]
    sampled = sampled.reshape(data.shape)
    return sampled

if __name__ == "__main__":
    import jax
    _d = setup_inputs()
    print(jax.jit(kernel)(*tuple(_d.values())))

</pallas_src>

<mosaic_0001>
#map = affine_map<(d0, d1) -> (0)>
#map1 = affine_map<(d0, d1) -> (0, 0)>
module attributes {stable_mosaic.version = 14 : i64} {
  func.func @gather(%arg0: i32, %arg1: i32, %arg2: memref<1024xi32, #tpu.memory_space<hbm>>, %arg3: memref<50000xi32, #tpu.memory_space<hbm>>, %arg4: memref<50000x128xf32, #tpu.memory_space<hbm>>, %arg5: memref<1024x128xf32, #tpu.memory_space<hbm>>, %arg6: memref<32xi32, #tpu.memory_space<vmem>>, %arg7: memref<32xi32, #tpu.memory_space<vmem>>, %arg8: memref<32x128xf32, #tpu.memory_space<vmem>>, %arg9: memref<!tpu.dma_semaphore, #tpu.memory_space<semaphore_mem>>) attributes {dimension_semantics = [#tpu.dimension_semantics<core_parallel>, #tpu.dimension_semantics<subcore_parallel>], iteration_bounds = array<i64: 2, 16>, scalar_prefetch = 0 : i64, scratch_operands = 4 : i64, tpu.core_type = #tpu.core_type<sc_vector_subcore>, window_params = [{transform_indices = #map}, {transform_indices = #map}, {transform_indices = #map1}, {transform_indices = #map1}]} {
    %mul3A = arith.constant 2 : i32
    %mul3A_0 = arith.muli %arg1, %mul3A : i32
    %add3A = arith.addi %mul3A_0, %arg0 : i32
    %mul3A_1 = arith.constant 32 : i32
    %mul3A_2 = arith.muli %add3A, %mul3A_1 : i32
    "tpu.region"() ({
      %run_scoped3A = tpu.sem_alloc : memref<!tpu.dma_semaphore, #tpu.memory_space<semaphore_mem>>
      %dma_start3A_11 = tpu.memref_slice %arg2[%mul3A_2] : memref<1024xi32, #tpu.memory_space<hbm>> -> memref<32xi32, #tpu.memory_space<hbm>>
      %dma_start3A_12 = tpu.memref_slice %arg2[%mul3A_2] : memref<1024xi32, #tpu.memory_space<hbm>> -> memref<32xi32, #tpu.memory_space<hbm>>
      tpu.enqueue_dma source(%dma_start3A_12 : memref<32xi32, #tpu.memory_space<hbm>>) target(%arg6 : memref<32xi32, #tpu.memory_space<vmem>>) target_semaphore(%run_scoped3A : memref<!tpu.dma_semaphore, #tpu.memory_space<semaphore_mem>>)
      %dma_wait3A_13 = tpu.memref_slice %arg2[%mul3A_2] : memref<1024xi32, #tpu.memory_space<hbm>> -> memref<32xi32, #tpu.memory_space<hbm>>
      %dma_wait3A_14 = tpu.memref_slice %arg2[%mul3A_2] : memref<1024xi32, #tpu.memory_space<hbm>> -> memref<32xi32, #tpu.memory_space<hbm>>
      tpu.wait_dma2 semaphore(%run_scoped3A : memref<!tpu.dma_semaphore, #tpu.memory_space<semaphore_mem>>) src(%dma_wait3A_14 : memref<32xi32, #tpu.memory_space<hbm>>) dst(%arg6 : memref<32xi32, #tpu.memory_space<vmem>>)
      tpu.yield
    }) : () -> ()
    %dma_start3A = arith.constant 0 : i32
    %dma_start3A_3 = tpu.memref_slice %arg3[%dma_start3A] : memref<50000xi32, #tpu.memory_space<hbm>> -> memref<50000xi32, #tpu.memory_space<hbm>>
    tpu.enqueue_indirect_dma source(%dma_start3A_3 : memref<50000xi32, #tpu.memory_space<hbm>>) target(%arg7 : memref<32xi32, #tpu.memory_space<vmem>>) offsets(%arg6 : memref<32xi32, #tpu.memory_space<vmem>>) semaphore(%arg9 : memref<!tpu.dma_semaphore, #tpu.memory_space<semaphore_mem>>)
    %dma_wait3A = arith.constant 0 : i32
    %dma_wait3A_4 = tpu.memref_slice %arg3[%dma_wait3A] : memref<50000xi32, #tpu.memory_space<hbm>> -> memref<50000xi32, #tpu.memory_space<hbm>>
    tpu.wait_indirect_dma semaphore(%arg9 : memref<!tpu.dma_semaphore, #tpu.memory_space<semaphore_mem>>) src(%dma_wait3A_4 : memref<50000xi32, #tpu.memory_space<hbm>>) dst(%arg7 : memref<32xi32, #tpu.memory_space<vmem>>)
    %dma_start3A_5 = arith.constant 0 : i32
    %dma_start3A_6 = arith.constant 0 : i32
    %dma_start3A_7 = tpu.memref_slice %arg4[%dma_start3A_5, %dma_start3A_6] : memref<50000x128xf32, #tpu.memory_space<hbm>> -> memref<50000x128xf32, #tpu.memory_space<hbm>>
    tpu.enqueue_indirect_dma source(%dma_start3A_7 : memref<50000x128xf32, #tpu.memory_space<hbm>>) target(%arg8 : memref<32x128xf32, #tpu.memory_space<vmem>>) offsets(%arg7 : memref<32xi32, #tpu.memory_space<vmem>>) semaphore(%arg9 : memref<!tpu.dma_semaphore, #tpu.memory_space<semaphore_mem>>)
    %dma_wait3A_8 = arith.constant 0 : i32
    %dma_wait3A_9 = arith.constant 0 : i32
    %dma_wait3A_10 = tpu.memref_slice %arg4[%dma_wait3A_8, %dma_wait3A_9] : memref<50000x128xf32, #tpu.memory_space<hbm>> -> memref<50000x128xf32, #tpu.memory_space<hbm>>
    tpu.wait_indirect_dma semaphore(%arg9 : memref<!tpu.dma_semaphore, #tpu.memory_space<semaphore_mem>>) src(%dma_wait3A_10 : memref<50000x128xf32, #tpu.memory_space<hbm>>) dst(%arg8 : memref<32x128xf32, #tpu.memory_space<vmem>>)
    "tpu.region"() ({
      %run_scoped3A = tpu.sem_alloc : memref<!tpu.dma_semaphore, #tpu.memory_space<semaphore_mem>>
      %dma_start3A_11 = arith.constant 0 : i32
      %dma_start3A_12 = tpu.memref_slice %arg5[%mul3A_2, %dma_start3A_11] : memref<1024x128xf32, #tpu.memory_space<hbm>> -> memref<32x128xf32, #tpu.memory_space<hbm>>
      %dma_start3A_13 = arith.constant 0 : i32
      %dma_start3A_14 = tpu.memref_slice %arg5[%mul3A_2, %dma_start3A_13] : memref<1024x128xf32, #tpu.memory_space<hbm>> -> memref<32x128xf32, #tpu.memory_space<hbm>>
      tpu.enqueue_dma source(%arg8 : memref<32x128xf32, #tpu.memory_space<vmem>>) target(%dma_start3A_14 : memref<32x128xf32, #tpu.memory_space<hbm>>) target_semaphore(%run_scoped3A : memref<!tpu.dma_semaphore, #tpu.memory_space<semaphore_mem>>)
      %dma_wait3A_15 = arith.constant 0 : i32
      %dma_wait3A_16 = tpu.memref_slice %arg5[%mul3A_2, %dma_wait3A_15] : memref<1024x128xf32, #tpu.memory_space<hbm>> -> memref<32x128xf32, #tpu.memory_space<hbm>>
      %dma_wait3A_17 = arith.constant 0 : i32
      %dma_wait3A_18 = tpu.memref_slice %arg5[%mul3A_2, %dma_wait3A_17] : memref<1024x128xf32, #tpu.memory_space<hbm>> -> memref<32x128xf32, #tpu.memory_space<hbm>>
      tpu.wait_dma2 semaphore(%run_scoped3A : memref<!tpu.dma_semaphore, #tpu.memory_space<semaphore_mem>>) src(%arg8 : memref<32x128xf32, #tpu.memory_space<vmem>>) dst(%dma_wait3A_18 : memref<32x128xf32, #tpu.memory_space<hbm>>)
      tpu.yield
    }) : () -> ()
    return
  }
}

module attributes {stable_mosaic.version = 14 : i64} {
  func.func @_argmin_body(%arg0: memref<1024x128xf32, #tpu.memory_space<vmem>>, %arg1: memref<1024x128xf32, #tpu.memory_space<vmem>>, %arg2: memref<512x128xf32, #tpu.memory_space<vmem>>, %arg3: memref<1024x1xi32, #tpu.memory_space<vmem>>) attributes {dimension_semantics = [], scalar_prefetch = 0 : i64, scratch_operands = 0 : i64, tpu.core_type = #tpu.core_type<tc>} {
    %get3A = arith.constant 0 : index
    %get3A_0 = arith.constant 0 : index
    %get3A_1 = vector.load %arg0[%get3A, %get3A_0] : memref<1024x128xf32, #tpu.memory_space<vmem>>, vector<1024x128xf32>
    %get3A_2 = arith.constant 0 : index
    %get3A_3 = arith.constant 0 : index
    %get3A_4 = vector.load %arg1[%get3A_2, %get3A_3] : memref<1024x128xf32, #tpu.memory_space<vmem>>, vector<1024x128xf32>
    %get3A_5 = arith.constant 0 : index
    %get3A_6 = arith.constant 0 : index
    %get3A_7 = vector.load %arg2[%get3A_5, %get3A_6] : memref<512x128xf32, #tpu.memory_space<vmem>>, vector<512x128xf32>
    %mul3A = arith.mulf %get3A_4, %get3A_1 : vector<1024x128xf32>
    %dot_general3A = arith.constant dense<0.000000e+00> : vector<1024x512xf32>
    %dot_general3A_8 = tpu.matmul %mul3A, %get3A_7, %dot_general3A {dimension_numbers = #tpu.dot_dimension_numbers<[1], [1], [0], [0], [0, 0, 1, 0], [], []>, precision = #tpu.contract_precision<fp32>, transpose_lhs_hint = false} : vector<1024x128xf32>, vector<512x128xf32>, vector<1024x512xf32> -> vector<1024x512xf32>
    %mul3A_9 = arith.mulf %get3A_7, %get3A_7 : vector<512x128xf32>
    %dot_general3A_10 = arith.constant dense<0.000000e+00> : vector<1024x512xf32>
    %dot_general3A_11 = tpu.matmul %get3A_4, %mul3A_9, %dot_general3A_10 {dimension_numbers = #tpu.dot_dimension_numbers<[1], [1], [0], [0], [0, 0, 1, 0], [], []>, precision = #tpu.contract_precision<fp32>, transpose_lhs_hint = false} : vector<1024x128xf32>, vector<512x128xf32>, vector<1024x512xf32> -> vector<1024x512xf32>
    %mul3A_12 = arith.constant 2.000000e+00 : f32
    %mul3A_13 = vector.broadcast %mul3A_12 : f32 to vector<1024x512xf32>
    %mul3A_14 = arith.mulf %mul3A_13, %dot_general3A_8 : vector<1024x512xf32>
    %sub3A = arith.subf %dot_general3A_11, %mul3A_14 : vector<1024x512xf32>
    %reduce_min3A = arith.constant dense<0x7F800000> : vector<1024xf32>
    %reduce_min3A_15 = vector.multi_reduction <minimumf>, %sub3A, %reduce_min3A [1] : vector<1024x512xf32> to vector<1024xf32>
    %broadcast_in_dim3A = vector.shape_cast %reduce_min3A_15 : vector<1024xf32> to vector<1024x1xf32>
    %iota3A = tpu.iota {dimensions = array<i32: 1>} : vector<1024x512xi32>
    %eq3A = vector.broadcast %broadcast_in_dim3A : vector<1024x1xf32> to vector<1024x512xf32>
    %eq3A_16 = arith.cmpf oeq, %sub3A, %eq3A : vector<1024x512xf32>
    %jit3A = arith.constant 512 : i32
    %broadcast_in_dim3A_17 = vector.broadcast %jit3A : i32 to vector<1024x512xi32>
    %select_n3A = arith.select %eq3A_16, %iota3A, %broadcast_in_dim3A_17 : vector<1024x512xi1>, vector<1024x512xi32>
    %reduce_min3A_18 = arith.constant dense<2147483647> : vector<1024xi32>
    %reduce_min3A_19 = vector.multi_reduction <minsi>, %select_n3A, %reduce_min3A_18 [1] : vector<1024x512xi32> to vector<1024xi32>
    %broadcast_in_dim3A_20 = vector.shape_cast %reduce_min3A_19 : vector<1024xi32> to vector<1024x1xi32>
    %swap3A = arith.constant 0 : index
    %swap3A_21 = arith.constant 0 : index
    %swap3A_22 = vector.load %arg3[%swap3A, %swap3A_21] : memref<1024x1xi32, #tpu.memory_space<vmem>>, vector<1024x1xi32>
    tpu.vector_store %arg3[%swap3A, %swap3A_21], %broadcast_in_dim3A_20 {strides = array<i32>} : memref<1024x1xi32, #tpu.memory_space<vmem>>, vector<1024x1xi32>,
    return
  }
}

</mosaic_0001>

<sc_bundles>
// kernel: kernel.4.cloned.1.call-start
scs
__scs_entry_jumppad:
0x0: {  	(pc) =	sbr.rel $0x88, $3  }
0x1: {  	(tag) =	ssettag $0x0;
	lr =	simm.s32 $0x1  }
0x2: {  	[smem:$0x3F9C] =	sst lr;
	_ =	strace $0xD0000000  }
0x3: {  	_ = 	snop  }
0x4: {  	_ = 	snop  }
0x5: {  	_ = 	snop  }
0x6: {  	_ = 	snop  }
0x7: {  	_ = 	snop  }
__scs_overlays_trampoline_lowered:
0x8: {  	[smem:$0x3FAB] =	sst s0  }
0x9: {  	[smem:$0x3FAC] =	sst s1  }
0xa: {  	[smem:$0x3FAD] =	sst s2  }
0xb: {  	[smem:$0x3FAE] =	sst s3  }
0xc: {  	[smem:$0x3FAF] =	sst s4  }
0xd: {  	[smem:$0x3FB0] =	sst s5  }
0xe: {  	[smem:$0x3FB1] =	sst s6  }
0xf: {  	[smem:$0x3FB2] =	sst s7  }
0x10: {  	[smem:$0x3FB3] =	sst s8  }
0x11: {  	[smem:$0x3FB4] =	sst s9;
	s0 =	simm.s32 @!p0 $0x0  }
0x12: {  	s1 =	sld [smem:$0x3F9A];
	s0 =	simm.s32 @p0 $0x1  }
0x13: {  	[smem:$0x3FB5] =	sst s0;
	s0 =	simm.s32 @!p1 $0x0  }
0x14: {  	s2 =	sld [smem:$0x3F99];
	s0 =	simm.s32 @p1 $0x1  }
0x15: {  	[smem:$0x3FB6] =	sst s0;
	s0 =	simm.s32 @!p2 $0x0  }
0x16: {  	s3 =	sld [smem:$0x3FDB];
	s0 =	simm.s32 @p2 $0x1  }
0x17: {  	s4 =	simm.s32 $0x1BF5;
	[smem:$0x3FB8] =	sst s0  }
0x18: {  	s0 =	sld [smem:$0x3F9B];
	_ =	swait.ge [sflag:s4], $0x0  }
0x19: {  	s7 =	sld [smem:$0x3F9C]  }
0x1a: {  	s8 =	sadd.s32 $0xFFFFE003, lr  }
0x1b: {  	s9 =	sadd.s32 $0xFFFFFEF7, lr;
	s5 =	simm.s32 $0xFFFFFFFF;
	p2 =	slt.u32 s8, $0xFFFFF086  }
0x1c: {  	p1 =	slt.u32 s9, $0xF7A;
	s5 =	simm.s32 @!p2 $0x0  }
0x1d: {  	s5 =	simm.s32 @p1 $0x1;
	p0 =	seq.s32 s7, s2  }
0x1e: {  	s7 =	smul.u32 @!p0 $0xF7A, s2;
	p2 =	seq.s32 @!p0 s5, $0x0  }
0x1f: {  	s9 =	smul.u32 $0xF7A, s1;
	s8 =	simm.s32 @!p0 $0x1BF5;
	p2 =	por !p2, p0  }
0x20: {  	[sflag:s8] =	ssyncset.s32 @!p0 $0xFFFFF086;
	s6 =	sadd.s32 @!p0 s3, s7;
	s7 =	simm.s32 @!p0 $0x108  }
0x21: {  	s3 =	sadd.s32 s3, s9;
	s6 =	sadd.s32 @!p0 $0x88, s6;
	s7 =	simm.s32 @p2 $0x1082  }
0x22: {  	[simem:s7], [sflag:s8] =	dma.local @!p0 [hbm:s6], $0xF7A  }
0x23: {  	s9 =	sor.u32 $0xD0000000, s2;
	s6 =	simm.s32 $0x108;
	_ =	swait.ge @!p0 [sflag:s8], $0x0  }
0x24: {  	s3 =	sadd.s32 $0x88, s3;
	s6 =	simm.s32 @!p1 $0x1082;
	[sflag:s4] =	ssyncset.s32 $0xFFFFF086  }
0x25: {  	[simem:s6], [sflag:s4] =	dma.local [hbm:s3], $0xF7A  }
0x26: {  	[smem:$0x3F9C] =	sst s1;
	(tag) =	ssettag s2;
	_ =	strace s9  }
0x27: {  	s1 =	sld [smem:$0x3FAC]  }
0x28: {  	s2 =	sld [smem:$0x3FAD]  }
0x29: {  	s4 =	sld [smem:$0x3FAF]  }
0x2a: {  	p0 =	seq.s32 s5, $0x0;
	s5 =	sld [smem:$0x3FB0]  }
0x2b: {  	s6 =	sld [smem:$0x3FB1]  }
0x2c: {  	s7 =	sld [smem:$0x3FB2]  }
0x2d: {  	s3 =	simm.s32 $0x108;
	s8 =	sld [smem:$0x3FB3]  }
0x2e: {  	s3 =	simm.s32 @!p0 $0x1082;
	s9 =	sld [smem:$0x3FB4]  }
0x2f: {  	lr =	sadd.s32 s0, s3;
	s0 =	sld [smem:$0x3FAB]  }
0x30: {  	s3 =	sld [smem:$0x3FAE]  }
0x31: {  	[smem:$0x3FB7] =	sst s10  }
0x32: {  	s10 =	sld [smem:$0x3FB5];
	_ =	sdelay $0x3  }
0x33: {  	p0 =	seq.s32 s10, $0x1;
	s10 =	sld [smem:$0x3FB7];
	_ =	sdelay $0x3  }
0x34: {  	[smem:$0x3FB7] =	sst s10  }
0x35: {  	s10 =	sld [smem:$0x3FB6];
	_ =	sdelay $0x3  }
0x36: {  	p1 =	seq.s32 s10, $0x1;
	s10 =	sld [smem:$0x3FB7];
	_ =	sdelay $0x3  }
0x37: {  	[smem:$0x3FB7] =	sst s10  }
0x38: {  	s10 =	sld [smem:$0x3FB8]  }
0x39: {  	_ = 	snop;
	(pc) =	sbr.ind lr, $3  }
0x3a: {  	_ = 	snop  }
0x3b: {  	_ = 	snop  }
0x3c: {  	p2 =	seq.s32 s10, $0x1;
	s10 =	sld [smem:$0x3FB7]  }
0x3d: {  	_ =	shalt  }
0x3e: {  	_ =	shalt  }
0x3f: {  	_ =	shalt  }
0x40: {  	_ =	shalt  }
0x41: {  	_ =	shalt  }
0x42: {  	_ =	shalt  }
0x43: {  	_ =	shalt  }
0x44: {  	_ =	shalt  }
0x45: {  	_ =	shalt  }
0x46: {  	_ =	shalt  }
0x47: {  	_ =	shalt  }
0x48: {  	_ =	shalt  }
0x49: {  	_ =	shalt  }
0x4a: {  	_ =	shalt  }
0x4b: {  	_ =	shalt  }
0x4c: {  	_ =	shalt  }
0x4d: {  	_ =	shalt  }
0x4e: {  	_ =	shalt  }
0x4f: {  	_ =	shalt  }
0x50: {  	_ =	shalt  }
0x51: {  	_ =	shalt  }
0x52: {  	_ =	shalt  }
0x53: {  	_ =	shalt  }
0x54: {  	_ =	shalt  }
0x55: {  	_ =	shalt  }
0x56: {  	_ =	shalt  }
0x57: {  	_ =	shalt  }
0x58: {  	_ =	shalt  }
0x59: {  	_ =	shalt  }
0x5a: {  	_ =	shalt  }
0x5b: {  	_ =	shalt  }
0x5c: {  	_ =	shalt  }
0x5d: {  	_ =	shalt  }
0x5e: {  	_ =	shalt  }
0x5f: {  	_ =	shalt  }
0x60: {  	_ =	shalt  }
0x61: {  	_ =	shalt  }
0x62: {  	_ =	shalt  }
0x63: {  	_ =	shalt  }
0x64: {  	_ =	shalt  }
0x65: {  	_ =	shalt  }
0x66: {  	_ =	shalt  }
0x67: {  	_ =	shalt  }
0x68: {  	_ =	shalt  }
0x69: {  	_ =	shalt  }
0x6a: {  	_ =	shalt  }
0x6b: {  	_ =	shalt  }
0x6c: {  	_ =	shalt  }
0x6d: {  	_ =	shalt  }
0x6e: {  	_ =	shalt  }
0x6f: {  	_ =	shalt  }
0x70: {  	_ =	shalt  }
0x71: {  	_ =	shalt  }
0x72: {  	_ =	shalt  }
0x73: {  	_ =	shalt  }
0x74: {  	_ =	shalt  }
0x75: {  	_ =	shalt  }
0x76: {  	_ =	shalt  }
0x77: {  	_ =	shalt  }
0x78: {  	_ =	shalt  }
0x79: {  	_ =	shalt  }
0x7a: {  	_ =	shalt  }
0x7b: {  	_ =	shalt  }
0x7c: {  	_ =	shalt  }
0x7d: {  	_ =	shalt  }
0x7e: {  	_ =	shalt  }
0x7f: {  	_ =	shalt  }
0x80: {  	_ =	shalt  }
0x81: {  	_ =	shalt  }
0x82: {  	_ =	shalt  }
0x83: {  	_ =	shalt  }
0x84: {  	_ =	shalt  }
0x85: {  	_ =	shalt  }
0x86: {  	_ =	shalt  }
0x87: {  	_ =	shalt  }
.Lfunc_end0:
.L_simem_size_0:
called_computation_lowered:
.L_overlay_start_0:
0x88: {  	s2 =	sld [smem:$0x3FD9]  }
0x89: {  	s3 =	sld [smem:$0x3FFE];
	_ =	sdelay $0x1  }
0x8a: {  	s1 =	srdreg.scid  }
0x8b: {  	s0 =	sand.u32 $0x1, s1  }
0x8c: {  	s17 =	sshll.u32 s0, $0xA;
	s2 =	sadd.s32 s3, s2  }
0x8d: {  	s2 =	sadd.s32 s2, s17  }
0x8e: {  	[smem:$0x3FC3] =	sst s2  }
0x8f: {  	_ = 	snop  }
0x90: {  	s2 =	sld [smem:$0x3FC6]  }
0x91: {  	s18 =	sld [smem:$0x3FC5]  }
0x92: {  	s4 =	sld [smem:$0x3FD0];
	(tm) =	ssettm $0x1  }
0x93: {  	s5 =	sld [smem:$0x3FFB];
	_ =	sdelay $0x3  }
0x94: {  	_ =	strace s5  }
0x95: {  	s5 =	sld [smem:$0x3FFC];
	_ =	sdelay $0x3  }
0x96: {  	_ =	strace s5  }
0x97: {  	s5 =	sld [smem:$0x3FFD];
	_ =	sdelay $0x3  }
0x98: {  	_ =	strace s5  }
0x99: {  	_ =	strace $0x8FFFFFFF  }
0x9a: {  	s19 =	sld [smem:$0x3FDB];
	_ =	sdelay $0x1  }
0x9b: {  	s6 =	simm.s32 $_scs_section_size  }
0x9c: {  	s7 =	simm.s32 $_size__tile_overlayer_lowered;
	s8 =	simm.s32 $_tile_overlayer_lowered  }
0x9d: {  	s22 =	simm.s32 $0x1BFF;
	s21 =	sshll.u32 s8, $0x1;
	s5 =	sadd.s32 s6, s19  }
0x9e: {  	s9 =	simm.s32 $0x0;
	s20 =	sshll.u32 s7, $0x1;
	s7 =	sadd.s32 s21, s5  }
0x9f: {  	[timem:s9], [sflag:s22] =	dma.local [hbm:s7], s20  }
0xa0: {  	_ =	swait.ge [sflag:s22], s20  }
0xa1: {  	s6 =	ssub.s32 $0x0, s20;
	[sflag:s22] =	ssyncset.done $0x0  }
0xa2: {  	[sflag:s22] =	ssyncadd.s32 s6;
	_ =	sdelay $0x1  }
0xa3: {  	s23 =	simm.s32 $0x1B8B  }
0xa4: {  	_ =	swait.ge [sflag:s23], $0x1  }
0xa5: {  	[sflag:s23] =	ssyncset.done $0x0  }
0xa6: {  	s25 =	simm.s32 $0x1B8E;
	s24 =	sld [smem:$0x3FFE];
	[sflag:s23] =	ssyncadd.s32 $0xFFFFFFFF  }
0xa7: {  	s26 =	simm.s32 $execute0_lowered;
	[smem:$0x3FD2] =	sst s25  }
0xa8: {  	s7 =	sshll.u32 s26, $0x1;
	_ =	strace $0x80000046;
	[dreg:$0x1] =	wrdreg $0xFFFFFFFF  }
0xa9: {  	s28 =	simm.s32 $_size_execute0_lowered;
	s5 =	sadd.s32 s5, s7;
	[dreg:$0x0] =	wrdreg $0x0  }
0xaa: {  	s7 =	sshll.u32 s28, $0x1;
	[dreg:$0x2] =	wrdreg s5  }
0xab: {  	[dreg:$0x3] =	wrdreg s7  }
0xac: {  	[dreg:$0x4] =	wrdreg $0xC0  }
0xad: {  	_ =	task [dreg:s9], $0x5FFFF  }
0xae: {  	[dreg:$0x1] =	wrdreg $0xFFFFFFFF  }
0xaf: {  	[dreg:$0x0] =	wrdreg $0x60  }
0xb0: {  	[dreg:$0x2] =	wrdreg s24  }
0xb1: {  	[dreg:$0x3] =	wrdreg s18  }
0xb2: {  	[dreg:$0x4] =	wrdreg s2  }
0xb3: {  	[dreg:$0x5] =	wrdreg s4  }
0xb4: {  	[dreg:$0x6] =	wrdreg $0x9  }
0xb5: {  	_ =	task.clear_ibuf [dreg:s9], $0x7FFFF;
	_ =	strace $0x90000046  }
0xb6: {  	s29 =	simm.s32 $0x9;
	_ =	strace $0x80000048  }
0xb7: {  	_ =	swait.ge [sflag:s29], $0x1  }
0xb8: {  	[sflag:s29] =	ssyncadd.s32 $0xFFFFFFFF  }
0xb9: {  	_ =	strace $0x90000048  }
0xba: {  	_ =	sfence  }
0xbb: {  	s30 =	sld [smem:$0x0];
	_ =	sdelay $0x2  }
0xbc: {  	s31 =	sshll.u32 s1, $0xD;
	s1 =	sshrl.u32 s1, $0x2  }
0xbd: {  	s3 =	sand.u32 $0x4000, s31;
	s1 =	sadd.s32 s1, s30  }
0xbe: {  	s0 =	sor.u32 s3, s0;
	s1 =	sshll.u32 s1, $0x11  }
0xbf: {  	s0 =	sor.u32 s1, s0  }
0xc0: {  	s0 =	sadd.s32 $0x8F2B, s0  }
0xc1: {  	[sflag:s0] =	ssyncadd.remote.s32 $0x1  }
0xc2: {  	_ =	sfence.sel $0xFFFF  }
0xc3: {  	[dreg:$0x0] =	wrdreg $0xFFFFFFFF;
	(pc) =	sbr.abs _section_cstart, $3  }
0xc4: {  	[dreg:$0x1] =	wrdreg $0xFFFFFFFF  }
0xc5: {  	_ =	task.clear_ibuf [dreg:s9], $0x2FFFF;
	_ =	strace $0x9FFFFFFF  }
0xc6: {  	(tm) =	ssettm $0x7FFFFFFF  }
0xc7: {  	_ =	shalt  }
tec
execute0_lowered:
.L_overlay_start_1:
0x0: {  	(tag) =	ssettag $0x1  }
0x1: {  	s5 =	rddreg [dreg:$0x0];
	s2 =	srdreg.scid  }
0x2: {  	s1 =	rddreg [dreg:$0x1];
	s0 =	stileid.u32;
	s10 =	sand.u32 $0x1, s2  }
0x3: {  	s3 =	rddreg [dreg:$0x2];
	s30 =	sshll.u32 s0, $0x6;
	s4 =	sshll.u32 s10, $0x5  }
0x4: {  	s11 =	rddreg [dreg:$0x3];
	s12 =	sor.u32 s4, s30  }
0x5: {  	s2 =	rddreg [dreg:$0x4];
	s4 =	simm.s32 $0x0;
	s6 =	sshrl.u32 s12, $0x3  }
0x6: {  	[smem:$0x7FF] =	sst s4;
	s5 =	sadd.s32 s6, s5  }
0x7: {  	_ =	strace $0x80000047;
	s6 =	sadd.s32 $0x600, s5;
	s5 =	simm.s32 $0x2  }
0x8: {  	[tilespmem:s4], [sflag:$0x2] =	stream.linear.gather [hbm4b:s6+s4], $0x20, $0x38;
	[tilespmem:$0x1100] =	vst v63  }
0x9: {  	_ =	swait.ge [sflag:s5], $0x20  }
0xa: {  	s7 =	simm.s32 $0x20;
	s8 =	simm.s32 $0x80;
	[sflag:s5] =	ssyncset.done $0x0  }
0xb: {  	s9 =	simm.s32 $0x1;
	s13 =	ssub.s32 $0x2, s10;
	[sflag:s5] =	ssyncadd.s32 $0xFFFFFFE0  }
0xc: {  	[tilespmem:s8], [sflag:$0x1] =	stream.indirect.gather [hbm4b:s1+s7], $0x1, s4, s7, $0xb8;
	[tilespmem:$0x1100] =	vst v63  }
0xd: {  	s14 =	sshrl.u32 s13, $0x1;
	_ =	swait.ge [sflag:s9], $0x20  }
0xe: {  	s13 =	ssub.s32 s13, s14;
	[sflag:s9] =	ssyncset.done $0x0  }
0xf: {  	s10 =	simm.s32 $0x100;
	s31 =	smax.u32 s13, $0x1;
	[sflag:s9] =	ssyncadd.s32 $0xFFFFFFE0  }
0x10: {  	[tilespmem:s10], [sflag:$0x1] =	stream.indirect.gather [hbm4b:s3+s7], $0x80, s8, s7, $0xb8;
	[tilespmem:$0x1100] =	vst v63  }
0x11: {  	p0 =	sne.s32 s31, $0x1;
	_ =	swait.ge [sflag:s9], $0x1000  }
.Ltmp0:
0x12: {  	s12 =	sshll.u32 s12, $0x4;
	[sflag:s9] =	ssyncset.done $0x0;
	(pc) =	sbr.rel @!p0 .LBB2_2-.Ltmp0, $4  }
0x13: {  	s11 =	sadd.s32 s11, s12;
	[sflag:s9] =	ssyncadd.s32 $0xFFFFF000  }
0x14: {  	[hbm4b:s11+s4] =	stream.linear.scatter [tilespmem:s10], [sflag:$0x2], $0x1000, $0x38;
	[tilespmem:$0x1100] =	vst v63  }
0x15: {  	_ =	swait.ge [sflag:s5], $0x1000  }
0x16: {  	s12 =	sadd.s32 $0xFFFFFFFF, s31;
	[sflag:s5] =	ssyncset.done $0x0  }
.LBB2_1:
0x17: {  	p0 =	sne.s32 s12, $0x1;
	s12 =	sadd.s32 $0xFFFFFFFF, s12;
	[sflag:s5] =	ssyncadd.s32 $0xFFFFF000  }
0x18: {  	[tilespmem:s4], [sflag:$0x2] =	stream.linear.gather [hbm4b:s6+s4], $0x20, $0x38;
	[tilespmem:$0x1100] =	vst v63  }
0x19: {  	_ =	swait.ge [sflag:s5], $0x20  }
0x1a: {  	[sflag:s5] =	ssyncset.done $0x0  }
0x1b: {  	[sflag:s5] =	ssyncadd.s32 $0xFFFFFFE0  }
0x1c: {  	[tilespmem:s8], [sflag:$0x1] =	stream.indirect.gather [hbm4b:s1+s7], $0x1, s4, s7, $0xb8;
	[tilespmem:$0x1100] =	vst v63  }
0x1d: {  	_ =	swait.ge [sflag:s9], $0x20  }
0x1e: {  	[sflag:s9] =	ssyncset.done $0x0  }
0x1f: {  	[sflag:s9] =	ssyncadd.s32 $0xFFFFFFE0  }
0x20: {  	[tilespmem:s10], [sflag:$0x1] =	stream.indirect.gather [hbm4b:s3+s7], $0x80, s8, s7, $0xb8;
	[tilespmem:$0x1100] =	vst v63  }
0x21: {  	_ =	swait.ge [sflag:s9], $0x1000  }
.Ltmp1:
0x22: {  	[sflag:s9] =	ssyncset.done $0x0;
	(pc) =	sbr.rel @p0 .LBB2_1-.Ltmp1, $4  }
0x23: {  	[sflag:s9] =	ssyncadd.s32 $0xFFFFF000  }
0x24: {  	[hbm4b:s11+s4] =	stream.linear.scatter [tilespmem:s10], [sflag:$0x2], $0x1000, $0x38;
	[tilespmem:$0x1100] =	vst v63  }
0x25: {  	_ =	swait.ge [sflag:s5], $0x1000  }
0x26: {  	[sflag:s5] =	ssyncset.done $0x0  }
.LBB2_2:
0x27: {  	[sflag:s5] =	ssyncadd.s32 $0xFFFFF000  }
0x28: {  	_ =	sfence.sel $0x180000  }
0x29: {  	[bflag:$0x0] =	sbarrier.arrive $0xFFFF  }
0x2a: {  	p0 =	sne.s32 s0, $0x0;
	_ =	strace $0x90000047  }
0x2b: {  	s0 =	sadd.s32 @!p0 $0x100000, s2;
	[bflag:$0x2] =	sbarrier.arrive $0xFFFF  }
0x2c: {  	[sflag:s0] =	ssyncadd.tile.s32 @!p0 $0x1;
	_ =	shalt  }
.Lfunc_end2:
_tile_overlayer_lowered:
.L_overlay_start_2:
0x2d: {  	(tag) =	ssettag $0x2  }
0x2e: {  	s0 =	rddreg [dreg:$0x0];
	s2 =	stileid.u32  }
0x2f: {  	s1 =	rddreg [dreg:$0x1];
	p0 =	sne.s32 s2, $0x0  }
0x30: {  	s3 =	rddreg [dreg:$0x2];
	[bflag:$0x3] =	sbarrier.arrive $0xFFFF;
	s2 =	simm.s32 @!p0 $0x1C02  }
0x31: {  	[timem:s3], [sflag:s2] =	dma.local @!p0 [hbm:s0], s1  }
0x32: {  	s0 =	simm.s32 @!p0 $0x2  }
0x33: {  	_ =	swait.ge @!p0 [sflag:s0], s1  }
0x34: {  	s1 =	ssub.s32 @!p0 $0x0, s1;
	[sflag:s0] =	ssyncset.done @!p0 $0x0  }
0x35: {  	[sflag:s0] =	ssyncadd.s32 @!p0 s1  }
0x36: {  	[bflag:$0x3] =	sbarrier.arrive $0xFFFF  }
0x37: {  	_ =	shalt  }

</sc_bundles>
